<compile_context>
chip_gen: v7x
topology: tpu7x:2x2x1
jax: 0.10.2.dev20260603
libtpu: 0.0.44.dev20260713+nightly
codegen_flags: <defaults>
</compile_context>

<pallas_src>
import functools

import jax
import jax.numpy as jnp
from jax import lax
from jax.experimental import pallas as pl
from jax.experimental.pallas import tpu as pltpu
from jax.experimental.pallas import tpu_sc as plsc

N = 4096
M = 16384
D = 3
KPAD = 8
CPAD = 128
MT = 2048
AW = 128
NSTEPS = M // MT


def _tc_body(z8_ref, cbt_ref, ind_ref, code_ref, accv_ref, acci_ref, x2_ref):
    i = pl.program_id(0)

    @pl.when(i == 0)
    def _init():
        accv_ref[...] = jnp.full((N, AW), jnp.inf, jnp.float32)
        acci_ref[...] = jnp.zeros((N, AW), jnp.int32)
        z0 = z8_ref[:, 0:1]
        z1 = z8_ref[:, 1:2]
        z2 = z8_ref[:, 2:3]
        x2_ref[...] = z0 * z0 + z1 * z1 + z2 * z2

    t0 = cbt_ref[0:1, :]
    t1 = cbt_ref[1:2, :]
    t2 = cbt_ref[2:3, :]
    n = jnp.maximum(jnp.sqrt(t0 * t0 + t2 * t2 + t1 * t1), 1e-12)
    co0 = t0 / n
    co1 = t1 / n
    co2 = t2 / n
    code8t = jnp.concatenate(
        [co0, co1, co2, jnp.zeros((KPAD - 3, MT), jnp.float32)], axis=0)
    code_ref[:, 0:KPAD] = jnp.transpose(code8t)
    y2 = co0 * co0 + co2 * co2 + co1 * co1

    code8t2 = jnp.concatenate(
        [co0 + co0, co1 + co1, co2 + co2,
         jnp.zeros((KPAD - 3, MT), jnp.float32)], axis=0)
    p2 = jnp.dot(z8_ref[...], code8t2, preferred_element_type=jnp.float32)

    x2 = x2_ref[...]
    accv = accv_ref[...]
    acci = acci_ref[...]
    for c in range(MT // AW):
        y2c = lax.slice(y2, (0, AW * c), (1, AW * c + AW))
        p2c = lax.slice(p2, (0, AW * c), (N, AW * c + AW))
        d = (x2 + y2c) - p2c
        sid = i * (MT // AW) + c
        pred = d < accv
        accv = jnp.minimum(accv, d)
        acci = jnp.where(pred, sid, acci)
    accv_ref[...] = accv
    acci_ref[...] = acci

    @pl.when(i == NSTEPS - 1)
    def _finish():
        m = jnp.min(accv, axis=1, keepdims=True)
        liota = lax.broadcasted_iota(jnp.int32, (N, AW), 1)
        big = jnp.int32(2**30)
        full = jnp.where(accv == m, acci * AW + liota, big)
        ind_ref[...] = jnp.min(full, axis=1, keepdims=True)


def _vq_tc(z8, cbt):
    return pl.pallas_call(
        _tc_body,
        grid=(NSTEPS,),
        in_specs=[
            pl.BlockSpec((N, KPAD), lambda i: (0, 0)),
            pl.BlockSpec((D, MT), lambda i: (0, i)),
        ],
        out_specs=[
            pl.BlockSpec((N, 1), lambda i: (0, 0)),
            pl.BlockSpec((MT, CPAD), lambda i: (i, 0)),
        ],
        out_shape=[
            jax.ShapeDtypeStruct((N, 1), jnp.int32),
            jax.ShapeDtypeStruct((M, CPAD), jnp.float32),
        ],
        scratch_shapes=[
            pltpu.VMEM((N, AW), jnp.float32),
            pltpu.VMEM((N, AW), jnp.int32),
            pltpu.VMEM((N, 1), jnp.float32),
        ],
        compiler_params=pltpu.CompilerParams(
            dimension_semantics=("arbitrary",)),
    )(z8, cbt)


def _sc_gather(code16, ind):
    info = plsc.get_sparse_core_info()
    nw = info.num_cores * info.num_subcores
    bpw = N // nw
    mesh = plsc.VectorSubcoreMesh(core_axis_name="c", subcore_axis_name="s")

    @functools.partial(
        pl.kernel,
        mesh=mesh,
        out_type=jax.ShapeDtypeStruct((N, CPAD), jnp.float32),
        scratch_types=[
            pltpu.VMEM((bpw,), jnp.int32),
            pltpu.VMEM((bpw, CPAD), jnp.float32),
            pltpu.SemaphoreType.DMA,
        ],
    )
    def gather_kernel(code_hbm, ind_hbm, out_hbm, idx_v, rows_v, sem):
        wid = lax.axis_index("s") * info.num_cores + lax.axis_index("c")
        base = wid * bpw
        pltpu.sync_copy(ind_hbm.at[pl.ds(base, bpw)], idx_v)
        pltpu.async_copy(code_hbm.at[idx_v], rows_v, sem).wait()
        pltpu.sync_copy(rows_v, out_hbm.at[pl.ds(base, bpw)])

    return gather_kernel(code16, ind)


def kernel(z, codebook):
    b, d, h, w = z.shape
    z_flat = jnp.transpose(z, (0, 2, 3, 1)).reshape(-1, d)
    z8 = jnp.pad(z_flat, ((0, 0), (0, KPAD - D)))
    ind2d, code16 = _vq_tc(z8, codebook.T)
    ind = ind2d.reshape(N)
    zq16 = _sc_gather(code16, ind)
    z_q = jnp.transpose(zq16[:, :D].reshape(b, h, w, d), (0, 3, 1, 2))
    loss = jnp.zeros([1], dtype=z_q.dtype)
    return (z_q, loss, ind)

# --- scband reference (transcript-rebuilt; emitter-appended) ---
"""Pipeline reference for scband-quantizer-26826365730938 (READ-ONLY COPY).

The authoritative reference and input builder live on the scoring server;
editing this copy changes nothing except your own understanding.
"""

import jax, jax.numpy as jnp
import numpy as np

CODEBOOK_SIZE = 16384  # 2**14
CODEBOOK_DIM = 3

def _l2_normalize(x, eps=1e-12):
    # mirrors torch F.normalize(p=2, dim=-1)
    n = jnp.linalg.norm(x, axis=-1, keepdims=True)
    return x / jnp.maximum(n, eps)

def setup_inputs(seed: int = 0) -> dict:
    key = jax.random.key(seed)
    k1, k2 = jax.random.split(key)
    z = jax.random.normal(k1, (4, 3, 32, 32), dtype=jnp.float32)
    codebook = jax.random.normal(k2, (CODEBOOK_SIZE, CODEBOOK_DIM), dtype=jnp.float32)
    # NSVQ.__init__ normalizes the embedding weight in-place at construction
    codebook = _l2_normalize(codebook)
    return {"z": z, "codebook": codebook}

def reference(z, codebook):
    # Quantizer.forward with quantizer_type == NSVQ, module in eval mode
    B, D, H, W = z.shape
    z_perm = jnp.transpose(z, (0, 2, 3, 1))  # (B, H, W, D)
    z_flat = z_perm.reshape(-1, D)           # (N, D)
    # forward re-normalizes the codebook (self.normalize(self.code, out=self.code))
    code = _l2_normalize(codebook)
    # norm_square(x, y) = sum_d (x_nd - y_md)^2 ; computed via expansion identity
    x2 = jnp.sum(z_flat * z_flat, axis=-1, keepdims=True)        # (N, 1)
    y2 = jnp.sum(code * code, axis=-1)[None, :]                   # (1, M)
    dist = x2 + y2 - 2.0 * (z_flat @ code.T)                      # (N, M)
    ind = jnp.argmin(dist, axis=1)                                 # (N,)
    # eval branch: z_q = embedding(ind)
    z_q = jnp.take(code, ind, axis=0)                              # (N, D)
    z_q = jnp.transpose(z_q.reshape(B, H, W, D), (0, 3, 1, 2))     # (B, D, H, W)
    loss = jnp.zeros([1], dtype=z_q.dtype)
    return (z_q, loss, ind)

if __name__ == "__main__":
    import jax
    _d = setup_inputs()
    print(jax.jit(kernel)(*tuple(_d.values())))

</pallas_src>

<mosaic_0001>
#map = affine_map<(d0, d1) -> (0, 0)>
#map1 = affine_map<(d0, d1) -> (0)>
module attributes {stable_mosaic.version = 14 : i64} {
  func.func @gather_kernel(%arg0: i32, %arg1: i32, %arg2: memref<16384x128xf32, #tpu.memory_space<hbm>>, %arg3: memref<4096xi32, #tpu.memory_space<hbm>>, %arg4: memref<4096x128xf32, #tpu.memory_space<hbm>>, %arg5: memref<128xi32, #tpu.memory_space<vmem>>, %arg6: memref<128x128xf32, #tpu.memory_space<vmem>>, %arg7: memref<!tpu.dma_semaphore, #tpu.memory_space<semaphore_mem>>) attributes {dimension_semantics = [#tpu.dimension_semantics<core_parallel>, #tpu.dimension_semantics<subcore_parallel>], iteration_bounds = array<i64: 2, 16>, scalar_prefetch = 0 : i64, scratch_operands = 3 : i64, tpu.core_type = #tpu.core_type<sc_vector_subcore>, window_params = [{transform_indices = #map}, {transform_indices = #map1}, {transform_indices = #map}]} {
    %mul3A = arith.constant 2 : i32
    %mul3A_0 = arith.muli %arg1, %mul3A : i32
    %add3A = arith.addi %mul3A_0, %arg0 : i32
    %mul3A_1 = arith.constant 128 : i32
    %mul3A_2 = arith.muli %add3A, %mul3A_1 : i32
    "tpu.region"() ({
      %run_scoped3A = tpu.sem_alloc : memref<!tpu.dma_semaphore, #tpu.memory_space<semaphore_mem>>
      %dma_start3A_7 = tpu.memref_slice %arg3[%mul3A_2] : memref<4096xi32, #tpu.memory_space<hbm>> -> memref<128xi32, #tpu.memory_space<hbm>>
      %dma_start3A_8 = tpu.memref_slice %arg3[%mul3A_2] : memref<4096xi32, #tpu.memory_space<hbm>> -> memref<128xi32, #tpu.memory_space<hbm>>
      tpu.enqueue_dma source(%dma_start3A_8 : memref<128xi32, #tpu.memory_space<hbm>>) target(%arg5 : memref<128xi32, #tpu.memory_space<vmem>>) target_semaphore(%run_scoped3A : memref<!tpu.dma_semaphore, #tpu.memory_space<semaphore_mem>>)
      %dma_wait3A_9 = tpu.memref_slice %arg3[%mul3A_2] : memref<4096xi32, #tpu.memory_space<hbm>> -> memref<128xi32, #tpu.memory_space<hbm>>
      %dma_wait3A_10 = tpu.memref_slice %arg3[%mul3A_2] : memref<4096xi32, #tpu.memory_space<hbm>> -> memref<128xi32, #tpu.memory_space<hbm>>
      tpu.wait_dma2 semaphore(%run_scoped3A : memref<!tpu.dma_semaphore, #tpu.memory_space<semaphore_mem>>) src(%dma_wait3A_10 : memref<128xi32, #tpu.memory_space<hbm>>) dst(%arg5 : memref<128xi32, #tpu.memory_space<vmem>>)
      tpu.yield
    }) : () -> ()
    %dma_start3A = arith.constant 0 : i32
    %dma_start3A_3 = arith.constant 0 : i32
    %dma_start3A_4 = tpu.memref_slice %arg2[%dma_start3A, %dma_start3A_3] : memref<16384x128xf32, #tpu.memory_space<hbm>> -> memref<16384x128xf32, #tpu.memory_space<hbm>>
    tpu.enqueue_indirect_dma source(%dma_start3A_4 : memref<16384x128xf32, #tpu.memory_space<hbm>>) target(%arg6 : memref<128x128xf32, #tpu.memory_space<vmem>>) offsets(%arg5 : memref<128xi32, #tpu.memory_space<vmem>>) semaphore(%arg7 : memref<!tpu.dma_semaphore, #tpu.memory_space<semaphore_mem>>)
    %dma_wait3A = arith.constant 0 : i32
    %dma_wait3A_5 = arith.constant 0 : i32
    %dma_wait3A_6 = tpu.memref_slice %arg2[%dma_wait3A, %dma_wait3A_5] : memref<16384x128xf32, #tpu.memory_space<hbm>> -> memref<16384x128xf32, #tpu.memory_space<hbm>>
    tpu.wait_indirect_dma semaphore(%arg7 : memref<!tpu.dma_semaphore, #tpu.memory_space<semaphore_mem>>) src(%dma_wait3A_6 : memref<16384x128xf32, #tpu.memory_space<hbm>>) dst(%arg6 : memref<128x128xf32, #tpu.memory_space<vmem>>)
    "tpu.region"() ({
      %run_scoped3A = tpu.sem_alloc : memref<!tpu.dma_semaphore, #tpu.memory_space<semaphore_mem>>
      %dma_start3A_7 = arith.constant 0 : i32
      %dma_start3A_8 = tpu.memref_slice %arg4[%mul3A_2, %dma_start3A_7] : memref<4096x128xf32, #tpu.memory_space<hbm>> -> memref<128x128xf32, #tpu.memory_space<hbm>>
      %dma_start3A_9 = arith.constant 0 : i32
      %dma_start3A_10 = tpu.memref_slice %arg4[%mul3A_2, %dma_start3A_9] : memref<4096x128xf32, #tpu.memory_space<hbm>> -> memref<128x128xf32, #tpu.memory_space<hbm>>
      tpu.enqueue_dma source(%arg6 : memref<128x128xf32, #tpu.memory_space<vmem>>) target(%dma_start3A_10 : memref<128x128xf32, #tpu.memory_space<hbm>>) target_semaphore(%run_scoped3A : memref<!tpu.dma_semaphore, #tpu.memory_space<semaphore_mem>>)
      %dma_wait3A_11 = arith.constant 0 : i32
      %dma_wait3A_12 = tpu.memref_slice %arg4[%mul3A_2, %dma_wait3A_11] : memref<4096x128xf32, #tpu.memory_space<hbm>> -> memref<128x128xf32, #tpu.memory_space<hbm>>
      %dma_wait3A_13 = arith.constant 0 : i32
      %dma_wait3A_14 = tpu.memref_slice %arg4[%mul3A_2, %dma_wait3A_13] : memref<4096x128xf32, #tpu.memory_space<hbm>> -> memref<128x128xf32, #tpu.memory_space<hbm>>
      tpu.wait_dma2 semaphore(%run_scoped3A : memref<!tpu.dma_semaphore, #tpu.memory_space<semaphore_mem>>) src(%arg6 : memref<128x128xf32, #tpu.memory_space<vmem>>) dst(%dma_wait3A_14 : memref<128x128xf32, #tpu.memory_space<hbm>>)
      tpu.yield
    }) : () -> ()
    return
  }
}

module attributes {stable_mosaic.version = 14 : i64} {
  func.func @_tc_body(%arg0: i32, %arg1: memref<4096x8xf32, #tpu.memory_space<vmem>>, %arg2: memref<3x2048xf32, #tpu.memory_space<vmem>>, %arg3: memref<4096x1xi32, #tpu.memory_space<vmem>>, %arg4: memref<2048x128xf32, #tpu.memory_space<vmem>>, %arg5: memref<4096x128xf32, #tpu.memory_space<vmem>>, %arg6: memref<4096x128xi32, #tpu.memory_space<vmem>>, %arg7: memref<4096x1xf32, #tpu.memory_space<vmem>>) attributes {dimension_semantics = [#tpu.dimension_semantics<arbitrary>], iteration_bounds = array<i64: 8>, scalar_prefetch = 0 : i64, scratch_operands = 3 : i64, tpu.core_type = #tpu.core_type<tc>, window_params = [{pipeline_mode = #tpu.pipeline_mode<synchronous>, transform_indices = @transform_0, window_bounds = array<i64: 4096, 8>}, {transform_indices = @transform_1, window_bounds = array<i64: 3, 2048>}, {pipeline_mode = #tpu.pipeline_mode<synchronous>, transform_indices = @transform_2, window_bounds = array<i64: 4096, 1>}, {transform_indices = @transform_3, window_bounds = array<i64: 2048, 128>}]} {
    %eq3A = arith.constant 0 : i32
    %eq3A_0 = arith.cmpi eq, %arg0, %eq3A : i32
    %convert_element_type3A = arith.extui %eq3A_0 : i1 to i32
    %cond3A = arith.constant 0 : i32
    %cond3A_1 = arith.cmpi ne, %convert_element_type3A, %cond3A : i32
    scf.if %cond3A_1 {
      %broadcast_in_dim3A_274 = arith.constant 0x7F800000 : f32
      %broadcast_in_dim3A_275 = vector.broadcast %broadcast_in_dim3A_274 : f32 to vector<4096x128xf32>
      %swap3A_276 = arith.constant 0 : index
      %swap3A_277 = arith.constant 0 : index
      %swap3A_278 = vector.load %arg5[%swap3A_276, %swap3A_277] : memref<4096x128xf32, #tpu.memory_space<vmem>>, vector<4096x128xf32>
      tpu.vector_store %arg5[%swap3A_276, %swap3A_277], %broadcast_in_dim3A_275 {strides = array<i32>} : memref<4096x128xf32, #tpu.memory_space<vmem>>, vector<4096x128xf32>,
      %broadcast_in_dim3A_279 = arith.constant 0 : i32
      %broadcast_in_dim3A_280 = vector.broadcast %broadcast_in_dim3A_279 : i32 to vector<4096x128xi32>
      %swap3A_281 = arith.constant 0 : index
      %swap3A_282 = arith.constant 0 : index
      %swap3A_283 = vector.load %arg6[%swap3A_281, %swap3A_282] : memref<4096x128xi32, #tpu.memory_space<vmem>>, vector<4096x128xi32>
      tpu.vector_store %arg6[%swap3A_281, %swap3A_282], %broadcast_in_dim3A_280 {strides = array<i32>} : memref<4096x128xi32, #tpu.memory_space<vmem>>, vector<4096x128xi32>,
      %get3A_284 = arith.constant 0 : index
      %get3A_285 = arith.constant 0 : index
      %get3A_286 = vector.load %arg1[%get3A_284, %get3A_285] : memref<4096x8xf32, #tpu.memory_space<vmem>>, vector<4096x1xf32>
      %get3A_287 = arith.constant 0 : index
      %get3A_288 = arith.constant 1 : index
      %get3A_289 = vector.load %arg1[%get3A_287, %get3A_288] : memref<4096x8xf32, #tpu.memory_space<vmem>>, vector<4096x1xf32>
      %get3A_290 = arith.constant 0 : index
      %get3A_291 = arith.constant 2 : index
      %get3A_292 = vector.load %arg1[%get3A_290, %get3A_291] : memref<4096x8xf32, #tpu.memory_space<vmem>>, vector<4096x1xf32>
      %mul3A_293 = arith.mulf %get3A_286, %get3A_286 : vector<4096x1xf32>
      %mul3A_294 = arith.mulf %get3A_289, %get3A_289 : vector<4096x1xf32>
      %add3A_295 = arith.addf %mul3A_293, %mul3A_294 : vector<4096x1xf32>
      %mul3A_296 = arith.mulf %get3A_292, %get3A_292 : vector<4096x1xf32>
      %add3A_297 = arith.addf %add3A_295, %mul3A_296 : vector<4096x1xf32>
      %swap3A_298 = arith.constant 0 : index
      %swap3A_299 = arith.constant 0 : index
      %swap3A_300 = vector.load %arg7[%swap3A_298, %swap3A_299] : memref<4096x1xf32, #tpu.memory_space<vmem>>, vector<4096x1xf32>
      tpu.vector_store %arg7[%swap3A_298, %swap3A_299], %add3A_297 {strides = array<i32>} : memref<4096x1xf32, #tpu.memory_space<vmem>>, vector<4096x1xf32>,
    } else {
    }
    %get3A = arith.constant 0 : index
    %get3A_2 = arith.constant 0 : index
    %get3A_3 = vector.load %arg2[%get3A, %get3A_2] : memref<3x2048xf32, #tpu.memory_space<vmem>>, vector<1x2048xf32>
    %get3A_4 = arith.constant 1 : index
    %get3A_5 = arith.constant 0 : index
    %get3A_6 = vector.load %arg2[%get3A_4, %get3A_5] : memref<3x2048xf32, #tpu.memory_space<vmem>>, vector<1x2048xf32>
    %get3A_7 = arith.constant 2 : index
    %get3A_8 = arith.constant 0 : index
    %get3A_9 = vector.load %arg2[%get3A_7, %get3A_8] : memref<3x2048xf32, #tpu.memory_space<vmem>>, vector<1x2048xf32>
    %mul3A = arith.mulf %get3A_3, %get3A_3 : vector<1x2048xf32>
    %mul3A_10 = arith.mulf %get3A_9, %get3A_9 : vector<1x2048xf32>
    %add3A = arith.addf %mul3A, %mul3A_10 : vector<1x2048xf32>
    %mul3A_11 = arith.mulf %get3A_6, %get3A_6 : vector<1x2048xf32>
    %add3A_12 = arith.addf %add3A, %mul3A_11 : vector<1x2048xf32>
    %sqrt3A = math.sqrt %add3A_12 : vector<1x2048xf32>
    %max3A = arith.constant 9.99999996E-13 : f32
    %max3A_13 = vector.broadcast %max3A : f32 to vector<1x2048xf32>
    %max3A_14 = arith.maximumf %sqrt3A, %max3A_13 : vector<1x2048xf32>
    %div3A = arith.divf %get3A_3, %max3A_14 : vector<1x2048xf32>
    %div3A_15 = arith.divf %get3A_6, %max3A_14 : vector<1x2048xf32>
    %div3A_16 = arith.divf %get3A_9, %max3A_14 : vector<1x2048xf32>
    %broadcast_in_dim3A = arith.constant 0.000000e+00 : f32
    %broadcast_in_dim3A_17 = vector.broadcast %broadcast_in_dim3A : f32 to vector<5x2048xf32>
    %concatenate3A = tpu.concatenate %div3A, %div3A_15, %div3A_16, %broadcast_in_dim3A_17 in 0 : vector<1x2048xf32>, vector<1x2048xf32>, vector<1x2048xf32>, vector<5x2048xf32> -> vector<8x2048xf32>
    %transpose3A = tpu.transpose %concatenate3A, [1, 0] : vector<8x2048xf32> -> vector<2048x8xf32>
    %swap3A = arith.constant 0 : index
    %swap3A_18 = arith.constant 0 : index
    %swap3A_19 = vector.load %arg4[%swap3A, %swap3A_18] : memref<2048x128xf32, #tpu.memory_space<vmem>>, vector<2048x8xf32>
    tpu.vector_store %arg4[%swap3A, %swap3A_18], %transpose3A {strides = array<i32>} : memref<2048x128xf32, #tpu.memory_space<vmem>>, vector<2048x8xf32>,
    %mul3A_20 = arith.mulf %div3A, %div3A : vector<1x2048xf32>
    %mul3A_21 = arith.mulf %div3A_16, %div3A_16 : vector<1x2048xf32>
    %add3A_22 = arith.addf %mul3A_20, %mul3A_21 : vector<1x2048xf32>
    %mul3A_23 = arith.mulf %div3A_15, %div3A_15 : vector<1x2048xf32>
    %add3A_24 = arith.addf %add3A_22, %mul3A_23 : vector<1x2048xf32>
    %add3A_25 = arith.addf %div3A, %div3A : vector<1x2048xf32>
    %add3A_26 = arith.addf %div3A_15, %div3A_15 : vector<1x2048xf32>
    %add3A_27 = arith.addf %div3A_16, %div3A_16 : vector<1x2048xf32>
    %broadcast_in_dim3A_28 = arith.constant 0.000000e+00 : f32
    %broadcast_in_dim3A_29 = vector.broadcast %broadcast_in_dim3A_28 : f32 to vector<5x2048xf32>
    %concatenate3A_30 = tpu.concatenate %add3A_25, %add3A_26, %add3A_27, %broadcast_in_dim3A_29 in 0 : vector<1x2048xf32>, vector<1x2048xf32>, vector<1x2048xf32>, vector<5x2048xf32> -> vector<8x2048xf32>
    %get3A_31 = arith.constant 0 : index
    %get3A_32 = arith.constant 0 : index
    %get3A_33 = vector.load %arg1[%get3A_31, %get3A_32] : memref<4096x8xf32, #tpu.memory_space<vmem>>, vector<4096x8xf32>
    %dot_general3A = arith.constant dense<0.000000e+00> : vector<4096x2048xf32>
    %dot_general3A_34 = tpu.matmul %get3A_33, %concatenate3A_30, %dot_general3A {dimension_numbers = #tpu.dot_dimension_numbers<[1], [0], [0], [1], [0, 0, 1, 1], [], []>, transpose_lhs_hint = false} : vector<4096x8xf32>, vector<8x2048xf32>, vector<4096x2048xf32> -> vector<4096x2048xf32>
    %get3A_35 = arith.constant 0 : index
    %get3A_36 = arith.constant 0 : index
    %get3A_37 = vector.load %arg7[%get3A_35, %get3A_36] : memref<4096x1xf32, #tpu.memory_space<vmem>>, vector<4096x1xf32>
    %get3A_38 = arith.constant 0 : index
    %get3A_39 = arith.constant 0 : index
    %get3A_40 = vector.load %arg5[%get3A_38, %get3A_39] : memref<4096x128xf32, #tpu.memory_space<vmem>>, vector<4096x128xf32>
    %get3A_41 = arith.constant 0 : index
    %get3A_42 = arith.constant 0 : index
    %get3A_43 = vector.load %arg6[%get3A_41, %get3A_42] : memref<4096x128xi32, #tpu.memory_space<vmem>>, vector<4096x128xi32>
    %slice3A = vector.extract_strided_slice %add3A_24 {offsets = [0, 0], sizes = [1, 128], strides = [1, 1]} : vector<1x2048xf32> to vector<1x128xf32>
    %slice3A_44 = vector.extract_strided_slice %dot_general3A_34 {offsets = [0, 0], sizes = [4096, 128], strides = [1, 1]} : vector<4096x2048xf32> to vector<4096x128xf32>
    %add3A_45 = vector.broadcast %get3A_37 : vector<4096x1xf32> to vector<4096x128xf32>
    %add3A_46 = vector.broadcast %slice3A : vector<1x128xf32> to vector<4096x128xf32>
    %add3A_47 = arith.addf %add3A_45, %add3A_46 : vector<4096x128xf32>
    %sub3A = arith.subf %add3A_47, %slice3A_44 : vector<4096x128xf32>
    %mul3A_48 = arith.constant 16 : i32
    %mul3A_49 = arith.muli %arg0, %mul3A_48 : i32
    %add3A_50 = arith.constant 0 : i32
    %add3A_51 = arith.addi %mul3A_49, %add3A_50 : i32
    %lt3A = arith.cmpf olt, %sub3A, %get3A_40 : vector<4096x128xf32>
    %min3A = arith.minimumf %get3A_40, %sub3A : vector<4096x128xf32>
    %broadcast_in_dim3A_52 = vector.broadcast %add3A_51 : i32 to vector<4096x128xi32>
    %select_n3A = arith.select %lt3A, %broadcast_in_dim3A_52, %get3A_43 : vector<4096x128xi1>, vector<4096x128xi32>
    %slice3A_53 = vector.extract_strided_slice %add3A_24 {offsets = [0, 128], sizes = [1, 128], strides = [1, 1]} : vector<1x2048xf32> to vector<1x128xf32>
    %slice3A_54 = vector.extract_strided_slice %dot_general3A_34 {offsets = [0, 128], sizes = [4096, 128], strides = [1, 1]} : vector<4096x2048xf32> to vector<4096x128xf32>
    %add3A_55 = vector.broadcast %get3A_37 : vector<4096x1xf32> to vector<4096x128xf32>
    %add3A_56 = vector.broadcast %slice3A_53 : vector<1x128xf32> to vector<4096x128xf32>
    %add3A_57 = arith.addf %add3A_55, %add3A_56 : vector<4096x128xf32>
    %sub3A_58 = arith.subf %add3A_57, %slice3A_54 : vector<4096x128xf32>
    %mul3A_59 = arith.constant 16 : i32
    %mul3A_60 = arith.muli %arg0, %mul3A_59 : i32
    %add3A_61 = arith.constant 1 : i32
    %add3A_62 = arith.addi %mul3A_60, %add3A_61 : i32
    %lt3A_63 = arith.cmpf olt, %sub3A_58, %min3A : vector<4096x128xf32>
    %min3A_64 = arith.minimumf %min3A, %sub3A_58 : vector<4096x128xf32>
    %broadcast_in_dim3A_65 = vector.broadcast %add3A_62 : i32 to vector<4096x128xi32>
    %select_n3A_66 = arith.select %lt3A_63, %broadcast_in_dim3A_65, %select_n3A : vector<4096x128xi1>, vector<4096x128xi32>
    %slice3A_67 = vector.extract_strided_slice %add3A_24 {offsets = [0, 256], sizes = [1, 128], strides = [1, 1]} : vector<1x2048xf32> to vector<1x128xf32>
    %slice3A_68 = vector.extract_strided_slice %dot_general3A_34 {offsets = [0, 256], sizes = [4096, 128], strides = [1, 1]} : vector<4096x2048xf32> to vector<4096x128xf32>
    %add3A_69 = vector.broadcast %get3A_37 : vector<4096x1xf32> to vector<4096x128xf32>
    %add3A_70 = vector.broadcast %slice3A_67 : vector<1x128xf32> to vector<4096x128xf32>
    %add3A_71 = arith.addf %add3A_69, %add3A_70 : vector<4096x128xf32>
    %sub3A_72 = arith.subf %add3A_71, %slice3A_68 : vector<4096x128xf32>
    %mul3A_73 = arith.constant 16 : i32
    %mul3A_74 = arith.muli %arg0, %mul3A_73 : i32
    %add3A_75 = arith.constant 2 : i32
    %add3A_76 = arith.addi %mul3A_74, %add3A_75 : i32
    %lt3A_77 = arith.cmpf olt, %sub3A_72, %min3A_64 : vector<4096x128xf32>
    %min3A_78 = arith.minimumf %min3A_64, %sub3A_72 : vector<4096x128xf32>
    %broadcast_in_dim3A_79 = vector.broadcast %add3A_76 : i32 to vector<4096x128xi32>
    %select_n3A_80 = arith.select %lt3A_77, %broadcast_in_dim3A_79, %select_n3A_66 : vector<4096x128xi1>, vector<4096x128xi32>
    %slice3A_81 = vector.extract_strided_slice %add3A_24 {offsets = [0, 384], sizes = [1, 128], strides = [1, 1]} : vector<1x2048xf32> to vector<1x128xf32>
    %slice3A_82 = vector.extract_strided_slice %dot_general3A_34 {offsets = [0, 384], sizes = [4096, 128], strides = [1, 1]} : vector<4096x2048xf32> to vector<4096x128xf32>
    %add3A_83 = vector.broadcast %get3A_37 : vector<4096x1xf32> to vector<4096x128xf32>
    %add3A_84 = vector.broadcast %slice3A_81 : vector<1x128xf32> to vector<4096x128xf32>
    %add3A_85 = arith.addf %add3A_83, %add3A_84 : vector<4096x128xf32>
    %sub3A_86 = arith.subf %add3A_85, %slice3A_82 : vector<4096x128xf32>
    %mul3A_87 = arith.constant 16 : i32
    %mul3A_88 = arith.muli %arg0, %mul3A_87 : i32
    %add3A_89 = arith.constant 3 : i32
    %add3A_90 = arith.addi %mul3A_88, %add3A_89 : i32
    %lt3A_91 = arith.cmpf olt, %sub3A_86, %min3A_78 : vector<4096x128xf32>
    %min3A_92 = arith.minimumf %min3A_78, %sub3A_86 : vector<4096x128xf32>
    %broadcast_in_dim3A_93 = vector.broadcast %add3A_90 : i32 to vector<4096x128xi32>
    %select_n3A_94 = arith.select %lt3A_91, %broadcast_in_dim3A_93, %select_n3A_80 : vector<4096x128xi1>, vector<4096x128xi32>
    %slice3A_95 = vector.extract_strided_slice %add3A_24 {offsets = [0, 512], sizes = [1, 128], strides = [1, 1]} : vector<1x2048xf32> to vector<1x128xf32>
    %slice3A_96 = vector.extract_strided_slice %dot_general3A_34 {offsets = [0, 512], sizes = [4096, 128], strides = [1, 1]} : vector<4096x2048xf32> to vector<4096x128xf32>
    %add3A_97 = vector.broadcast %get3A_37 : vector<4096x1xf32> to vector<4096x128xf32>
    %add3A_98 = vector.broadcast %slice3A_95 : vector<1x128xf32> to vector<4096x128xf32>
    %add3A_99 = arith.addf %add3A_97, %add3A_98 : vector<4096x128xf32>
    %sub3A_100 = arith.subf %add3A_99, %slice3A_96 : vector<4096x128xf32>
    %mul3A_101 = arith.constant 16 : i32
    %mul3A_102 = arith.muli %arg0, %mul3A_101 : i32
    %add3A_103 = arith.constant 4 : i32
    %add3A_104 = arith.addi %mul3A_102, %add3A_103 : i32
    %lt3A_105 = arith.cmpf olt, %sub3A_100, %min3A_92 : vector<4096x128xf32>
    %min3A_106 = arith.minimumf %min3A_92, %sub3A_100 : vector<4096x128xf32>
    %broadcast_in_dim3A_107 = vector.broadcast %add3A_104 : i32 to vector<4096x128xi32>
    %select_n3A_108 = arith.select %lt3A_105, %broadcast_in_dim3A_107, %select_n3A_94 : vector<4096x128xi1>, vector<4096x128xi32>
    %slice3A_109 = vector.extract_strided_slice %add3A_24 {offsets = [0, 640], sizes = [1, 128], strides = [1, 1]} : vector<1x2048xf32> to vector<1x128xf32>
    %slice3A_110 = vector.extract_strided_slice %dot_general3A_34 {offsets = [0, 640], sizes = [4096, 128], strides = [1, 1]} : vector<4096x2048xf32> to vector<4096x128xf32>
    %add3A_111 = vector.broadcast %get3A_37 : vector<4096x1xf32> to vector<4096x128xf32>
    %add3A_112 = vector.broadcast %slice3A_109 : vector<1x128xf32> to vector<4096x128xf32>
    %add3A_113 = arith.addf %add3A_111, %add3A_112 : vector<4096x128xf32>
    %sub3A_114 = arith.subf %add3A_113, %slice3A_110 : vector<4096x128xf32>
    %mul3A_115 = arith.constant 16 : i32
    %mul3A_116 = arith.muli %arg0, %mul3A_115 : i32
    %add3A_117 = arith.constant 5 : i32
    %add3A_118 = arith.addi %mul3A_116, %add3A_117 : i32
    %lt3A_119 = arith.cmpf olt, %sub3A_114, %min3A_106 : vector<4096x128xf32>
    %min3A_120 = arith.minimumf %min3A_106, %sub3A_114 : vector<4096x128xf32>
    %broadcast_in_dim3A_121 = vector.broadcast %add3A_118 : i32 to vector<4096x128xi32>
    %select_n3A_122 = arith.select %lt3A_119, %broadcast_in_dim3A_121, %select_n3A_108 : vector<4096x128xi1>, vector<4096x128xi32>
    %slice3A_123 = vector.extract_strided_slice %add3A_24 {offsets = [0, 768], sizes = [1, 128], strides = [1, 1]} : vector<1x2048xf32> to vector<1x128xf32>
    %slice3A_124 = vector.extract_strided_slice %dot_general3A_34 {offsets = [0, 768], sizes = [4096, 128], strides = [1, 1]} : vector<4096x2048xf32> to vector<4096x128xf32>
    %add3A_125 = vector.broadcast %get3A_37 : vector<4096x1xf32> to vector<4096x128xf32>
    %add3A_126 = vector.broadcast %slice3A_123 : vector<1x128xf32> to vector<4096x128xf32>
    %add3A_127 = arith.addf %add3A_125, %add3A_126 : vector<4096x128xf32>
    %sub3A_128 = arith.subf %add3A_127, %slice3A_124 : vector<4096x128xf32>
    %mul3A_129 = arith.constant 16 : i32
    %mul3A_130 = arith.muli %arg0, %mul3A_129 : i32
    %add3A_131 = arith.constant 6 : i32
    %add3A_132 = arith.addi %mul3A_130, %add3A_131 : i32
    %lt3A_133 = arith.cmpf olt, %sub3A_128, %min3A_120 : vector<4096x128xf32>
    %min3A_134 = arith.minimumf %min3A_120, %sub3A_128 : vector<4096x128xf32>
    %broadcast_in_dim3A_135 = vector.broadcast %add3A_132 : i32 to vector<4096x128xi32>
    %select_n3A_136 = arith.select %lt3A_133, %broadcast_in_dim3A_135, %select_n3A_122 : vector<4096x128xi1>, vector<4096x128xi32>
    %slice3A_137 = vector.extract_strided_slice %add3A_24 {offsets = [0, 896], sizes = [1, 128], strides = [1, 1]} : vector<1x2048xf32> to vector<1x128xf32>
    %slice3A_138 = vector.extract_strided_slice %dot_general3A_34 {offsets = [0, 896], sizes = [4096, 128], strides = [1, 1]} : vector<4096x2048xf32> to vector<4096x128xf32>
    %add3A_139 = vector.broadcast %get3A_37 : vector<4096x1xf32> to vector<4096x128xf32>
    %add3A_140 = vector.broadcast %slice3A_137 : vector<1x128xf32> to vector<4096x128xf32>
    %add3A_141 = arith.addf %add3A_139, %add3A_140 : vector<4096x128xf32>
    %sub3A_142 = arith.subf %add3A_141, %slice3A_138 : vector<4096x128xf32>
    %mul3A_143 = arith.constant 16 : i32
    %mul3A_144 = arith.muli %arg0, %mul3A_143 : i32
    %add3A_145 = arith.constant 7 : i32
    %add3A_146 = arith.addi %mul3A_144, %add3A_145 : i32
    %lt3A_147 = arith.cmpf olt, %sub3A_142, %min3A_134 : vector<4096x128xf32>
    %min3A_148 = arith.minimumf %min3A_134, %sub3A_142 : vector<4096x128xf32>
    %broadcast_in_dim3A_149 = vector.broadcast %add3A_146 : i32 to vector<4096x128xi32>
    %select_n3A_150 = arith.select %lt3A_147, %broadcast_in_dim3A_149, %select_n3A_136 : vector<4096x128xi1>, vector<4096x128xi32>
    %slice3A_151 = vector.extract_strided_slice %add3A_24 {offsets = [0, 1024], sizes = [1, 128], strides = [1, 1]} : vector<1x2048xf32> to vector<1x128xf32>
    %slice3A_152 = vector.extract_strided_slice %dot_general3A_34 {offsets = [0, 1024], sizes = [4096, 128], strides = [1, 1]} : vector<4096x2048xf32> to vector<4096x128xf32>
    %add3A_153 = vector.broadcast %get3A_37 : vector<4096x1xf32> to vector<4096x128xf32>
    %add3A_154 = vector.broadcast %slice3A_151 : vector<1x128xf32> to vector<4096x128xf32>
    %add3A_155 = arith.addf %add3A_153, %add3A_154 : vector<4096x128xf32>
    %sub3A_156 = arith.subf %add3A_155, %slice3A_152 : vector<4096x128xf32>
    %mul3A_157 = arith.constant 16 : i32
    %mul3A_158 = arith.muli %arg0, %mul3A_157 : i32
    %add3A_159 = arith.constant 8 : i32
    %add3A_160 = arith.addi %mul3A_158, %add3A_159 : i32
    %lt3A_161 = arith.cmpf olt, %sub3A_156, %min3A_148 : vector<4096x128xf32>
    %min3A_162 = arith.minimumf %min3A_148, %sub3A_156 : vector<4096x128xf32>
    %broadcast_in_dim3A_163 = vector.broadcast %add3A_160 : i32 to vector<4096x128xi32>
    %select_n3A_164 = arith.select %lt3A_161, %broadcast_in_dim3A_163, %select_n3A_150 : vector<4096x128xi1>, vector<4096x128xi32>
    %slice3A_165 = vector.extract_strided_slice %add3A_24 {offsets = [0, 1152], sizes = [1, 128], strides = [1, 1]} : vector<1x2048xf32> to vector<1x128xf32>
    %slice3A_166 = vector.extract_strided_slice %dot_general3A_34 {offsets = [0, 1152], sizes = [4096, 128], strides = [1, 1]} : vector<4096x2048xf32> to vector<4096x128xf32>
    %add3A_167 = vector.broadcast %get3A_37 : vector<4096x1xf32> to vector<4096x128xf32>
    %add3A_168 = vector.broadcast %slice3A_165 : vector<1x128xf32> to vector<4096x128xf32>
    %add3A_169 = arith.addf %add3A_167, %add3A_168 : vector<4096x128xf32>
    %sub3A_170 = arith.subf %add3A_169, %slice3A_166 : vector<4096x128xf32>
    %mul3A_171 = arith.constant 16 : i32
    %mul3A_172 = arith.muli %arg0, %mul3A_171 : i32
    %add3A_173 = arith.constant 9 : i32
    %add3A_174 = arith.addi %mul3A_172, %add3A_173 : i32
    %lt3A_175 = arith.cmpf olt, %sub3A_170, %min3A_162 : vector<4096x128xf32>
    %min3A_176 = arith.minimumf %min3A_162, %sub3A_170 : vector<4096x128xf32>
    %broadcast_in_dim3A_177 = vector.broadcast %add3A_174 : i32 to vector<4096x128xi32>
    %select_n3A_178 = arith.select %lt3A_175, %broadcast_in_dim3A_177, %select_n3A_164 : vector<4096x128xi1>, vector<4096x128xi32>
    %slice3A_179 = vector.extract_strided_slice %add3A_24 {offsets = [0, 1280], sizes = [1, 128], strides = [1, 1]} : vector<1x2048xf32> to vector<1x128xf32>
    %slice3A_180 = vector.extract_strided_slice %dot_general3A_34 {offsets = [0, 1280], sizes = [4096, 128], strides = [1, 1]} : vector<4096x2048xf32> to vector<4096x128xf32>
    %add3A_181 = vector.broadcast %get3A_37 : vector<4096x1xf32> to vector<4096x128xf32>
    %add3A_182 = vector.broadcast %slice3A_179 : vector<1x128xf32> to vector<4096x128xf32>
    %add3A_183 = arith.addf %add3A_181, %add3A_182 : vector<4096x128xf32>
    %sub3A_184 = arith.subf %add3A_183, %slice3A_180 : vector<4096x128xf32>
    %mul3A_185 = arith.constant 16 : i32
    %mul3A_186 = arith.muli %arg0, %mul3A_185 : i32
    %add3A_187 = arith.constant 10 : i32
    %add3A_188 = arith.addi %mul3A_186, %add3A_187 : i32
    %lt3A_189 = arith.cmpf olt, %sub3A_184, %min3A_176 : vector<4096x128xf32>
    %min3A_190 = arith.minimumf %min3A_176, %sub3A_184 : vector<4096x128xf32>
    %broadcast_in_dim3A_191 = vector.broadcast %add3A_188 : i32 to vector<4096x128xi32>
    %select_n3A_192 = arith.select %lt3A_189, %broadcast_in_dim3A_191, %select_n3A_178 : vector<4096x128xi1>, vector<4096x128xi32>
    %slice3A_193 = vector.extract_strided_slice %add3A_24 {offsets = [0, 1408], sizes = [1, 128], strides = [1, 1]} : vector<1x2048xf32> to vector<1x128xf32>
    %slice3A_194 = vector.extract_strided_slice %dot_general3A_34 {offsets = [0, 1408], sizes = [4096, 128], strides = [1, 1]} : vector<4096x2048xf32> to vector<4096x128xf32>
    %add3A_195 = vector.broadcast %get3A_37 : vector<4096x1xf32> to vector<4096x128xf32>
    %add3A_196 = vector.broadcast %slice3A_193 : vector<1x128xf32> to vector<4096x128xf32>
    %add3A_197 = arith.addf %add3A_195, %add3A_196 : vector<4096x128xf32>
    %sub3A_198 = arith.subf %add3A_197, %slice3A_194 : vector<4096x128xf32>
    %mul3A_199 = arith.constant 16 : i32
    %mul3A_200 = arith.muli %arg0, %mul3A_199 : i32
    %add3A_201 = arith.constant 11 : i32
    %add3A_202 = arith.addi %mul3A_200, %add3A_201 : i32
    %lt3A_203 = arith.cmpf olt, %sub3A_198, %min3A_190 : vector<4096x128xf32>
    %min3A_204 = arith.minimumf %min3A_190, %sub3A_198 : vector<4096x128xf32>
    %broadcast_in_dim3A_205 = vector.broadcast %add3A_202 : i32 to vector<4096x128xi32>
    %select_n3A_206 = arith.select %lt3A_203, %broadcast_in_dim3A_205, %select_n3A_192 : vector<4096x128xi1>, vector<4096x128xi32>
    %slice3A_207 = vector.extract_strided_slice %add3A_24 {offsets = [0, 1536], sizes = [1, 128], strides = [1, 1]} : vector<1x2048xf32> to vector<1x128xf32>
    %slice3A_208 = vector.extract_strided_slice %dot_general3A_34 {offsets = [0, 1536], sizes = [4096, 128], strides = [1, 1]} : vector<4096x2048xf32> to vector<4096x128xf32>
    %add3A_209 = vector.broadcast %get3A_37 : vector<4096x1xf32> to vector<4096x128xf32>
    %add3A_210 = vector.broadcast %slice3A_207 : vector<1x128xf32> to vector<4096x128xf32>
    %add3A_211 = arith.addf %add3A_209, %add3A_210 : vector<4096x128xf32>
    %sub3A_212 = arith.subf %add3A_211, %slice3A_208 : vector<4096x128xf32>
    %mul3A_213 = arith.constant 16 : i32
    %mul3A_214 = arith.muli %arg0, %mul3A_213 : i32
    %add3A_215 = arith.constant 12 : i32
    %add3A_216 = arith.addi %mul3A_214, %add3A_215 : i32
    %lt3A_217 = arith.cmpf olt, %sub3A_212, %min3A_204 : vector<4096x128xf32>
    %min3A_218 = arith.minimumf %min3A_204, %sub3A_212 : vector<4096x128xf32>
    %broadcast_in_dim3A_219 = vector.broadcast %add3A_216 : i32 to vector<4096x128xi32>
    %select_n3A_220 = arith.select %lt3A_217, %broadcast_in_dim3A_219, %select_n3A_206 : vector<4096x128xi1>, vector<4096x128xi32>
    %slice3A_221 = vector.extract_strided_slice %add3A_24 {offsets = [0, 1664], sizes = [1, 128], strides = [1, 1]} : vector<1x2048xf32> to vector<1x128xf32>
    %slice3A_222 = vector.extract_strided_slice %dot_general3A_34 {offsets = [0, 1664], sizes = [4096, 128], strides = [1, 1]} : vector<4096x2048xf32> to vector<4096x128xf32>
    %add3A_223 = vector.broadcast %get3A_37 : vector<4096x1xf32> to vector<4096x128xf32>
    %add3A_224 = vector.broadcast %slice3A_221 : vector<1x128xf32> to vector<4096x128xf32>
    %add3A_225 = arith.addf %add3A_223, %add3A_224 : vector<4096x128xf32>
    %sub3A_226 = arith.subf %add3A_225, %slice3A_222 : vector<4096x128xf32>
    %mul3A_227 = arith.constant 16 : i32
    %mul3A_228 = arith.muli %arg0, %mul3A_227 : i32
    %add3A_229 = arith.constant 13 : i32
    %add3A_230 = arith.addi %mul3A_228, %add3A_229 : i32
    %lt3A_231 = arith.cmpf olt, %sub3A_226, %min3A_218 : vector<4096x128xf32>
    %min3A_232 = arith.minimumf %min3A_218, %sub3A_226 : vector<4096x128xf32>
    %broadcast_in_dim3A_233 = vector.broadcast %add3A_230 : i32 to vector<4096x128xi32>
    %select_n3A_234 = arith.select %lt3A_231, %broadcast_in_dim3A_233, %select_n3A_220 : vector<4096x128xi1>, vector<4096x128xi32>
    %slice3A_235 = vector.extract_strided_slice %add3A_24 {offsets = [0, 1792], sizes = [1, 128], strides = [1, 1]} : vector<1x2048xf32> to vector<1x128xf32>
    %slice3A_236 = vector.extract_strided_slice %dot_general3A_34 {offsets = [0, 1792], sizes = [4096, 128], strides = [1, 1]} : vector<4096x2048xf32> to vector<4096x128xf32>
    %add3A_237 = vector.broadcast %get3A_37 : vector<4096x1xf32> to vector<4096x128xf32>
    %add3A_238 = vector.broadcast %slice3A_235 : vector<1x128xf32> to vector<4096x128xf32>
    %add3A_239 = arith.addf %add3A_237, %add3A_238 : vector<4096x128xf32>
    %sub3A_240 = arith.subf %add3A_239, %slice3A_236 : vector<4096x128xf32>
    %mul3A_241 = arith.constant 16 : i32
    %mul3A_242 = arith.muli %arg0, %mul3A_241 : i32
    %add3A_243 = arith.constant 14 : i32
    %add3A_244 = arith.addi %mul3A_242, %add3A_243 : i32
    %lt3A_245 = arith.cmpf olt, %sub3A_240, %min3A_232 : vector<4096x128xf32>
    %min3A_246 = arith.minimumf %min3A_232, %sub3A_240 : vector<4096x128xf32>
    %broadcast_in_dim3A_247 = vector.broadcast %add3A_244 : i32 to vector<4096x128xi32>
    %select_n3A_248 = arith.select %lt3A_245, %broadcast_in_dim3A_247, %select_n3A_234 : vector<4096x128xi1>, vector<4096x128xi32>
    %slice3A_249 = vector.extract_strided_slice %add3A_24 {offsets = [0, 1920], sizes = [1, 128], strides = [1, 1]} : vector<1x2048xf32> to vector<1x128xf32>
    %slice3A_250 = vector.extract_strided_slice %dot_general3A_34 {offsets = [0, 1920], sizes = [4096, 128], strides = [1, 1]} : vector<4096x2048xf32> to vector<4096x128xf32>
    %add3A_251 = vector.broadcast %get3A_37 : vector<4096x1xf32> to vector<4096x128xf32>
    %add3A_252 = vector.broadcast %slice3A_249 : vector<1x128xf32> to vector<4096x128xf32>
    %add3A_253 = arith.addf %add3A_251, %add3A_252 : vector<4096x128xf32>
    %sub3A_254 = arith.subf %add3A_253, %slice3A_250 : vector<4096x128xf32>
    %mul3A_255 = arith.constant 16 : i32
    %mul3A_256 = arith.muli %arg0, %mul3A_255 : i32
    %add3A_257 = arith.constant 15 : i32
    %add3A_258 = arith.addi %mul3A_256, %add3A_257 : i32
    %lt3A_259 = arith.cmpf olt, %sub3A_254, %min3A_246 : vector<4096x128xf32>
    %min3A_260 = arith.minimumf %min3A_246, %sub3A_254 : vector<4096x128xf32>
    %broadcast_in_dim3A_261 = vector.broadcast %add3A_258 : i32 to vector<4096x128xi32>
    %select_n3A_262 = arith.select %lt3A_259, %broadcast_in_dim3A_261, %select_n3A_248 : vector<4096x128xi1>, vector<4096x128xi32>
    %swap3A_263 = arith.constant 0 : index
    %swap3A_264 = arith.constant 0 : index
    %swap3A_265 = vector.load %arg5[%swap3A_263, %swap3A_264] : memref<4096x128xf32, #tpu.memory_space<vmem>>, vector<4096x128xf32>
    tpu.vector_store %arg5[%swap3A_263, %swap3A_264], %min3A_260 {strides = array<i32>} : memref<4096x128xf32, #tpu.memory_space<vmem>>, vector<4096x128xf32>,
    %swap3A_266 = arith.constant 0 : index
    %swap3A_267 = arith.constant 0 : index
    %swap3A_268 = vector.load %arg6[%swap3A_266, %swap3A_267] : memref<4096x128xi32, #tpu.memory_space<vmem>>, vector<4096x128xi32>
    tpu.vector_store %arg6[%swap3A_266, %swap3A_267], %select_n3A_262 {strides = array<i32>} : memref<4096x128xi32, #tpu.memory_space<vmem>>, vector<4096x128xi32>,
    %eq3A_269 = arith.constant 7 : i32
    %eq3A_270 = arith.cmpi eq, %arg0, %eq3A_269 : i32
    %convert_element_type3A_271 = arith.extui %eq3A_270 : i1 to i32
    %cond3A_272 = arith.constant 0 : i32
    %cond3A_273 = arith.cmpi ne, %convert_element_type3A_271, %cond3A_272 : i32
    scf.if %cond3A_273 {
      %reduce_min3A = arith.constant dense<0x7F800000> : vector<4096xf32>
      %reduce_min3A_274 = vector.multi_reduction <minimumf>, %min3A_260, %reduce_min3A [1] : vector<4096x128xf32> to vector<4096xf32>
      %broadcast_in_dim3A_275 = vector.shape_cast %reduce_min3A_274 : vector<4096xf32> to vector<4096x1xf32>
      %iota3A = tpu.iota {dimensions = array<i32: 1>} : vector<4096x128xi32>
      %eq3A_276 = vector.broadcast %broadcast_in_dim3A_275 : vector<4096x1xf32> to vector<4096x128xf32>
      %eq3A_277 = arith.cmpf oeq, %min3A_260, %eq3A_276 : vector<4096x128xf32>
      %mul3A_278 = arith.constant 128 : i32
      %mul3A_279 = vector.broadcast %mul3A_278 : i32 to vector<4096x128xi32>
      %mul3A_280 = arith.muli %select_n3A_262, %mul3A_279 : vector<4096x128xi32>
      %add3A_281 = arith.addi %mul3A_280, %iota3A : vector<4096x128xi32>
      %jit3A = arith.constant 1073741824 : i32
      %broadcast_in_dim3A_282 = vector.broadcast %jit3A : i32 to vector<4096x128xi32>
      %select_n3A_283 = arith.select %eq3A_277, %add3A_281, %broadcast_in_dim3A_282 : vector<4096x128xi1>, vector<4096x128xi32>
      %reduce_min3A_284 = arith.constant dense<2147483647> : vector<4096xi32>
      %reduce_min3A_285 = vector.multi_reduction <minsi>, %select_n3A_283, %reduce_min3A_284 [1] : vector<4096x128xi32> to vector<4096xi32>
      %broadcast_in_dim3A_286 = vector.shape_cast %reduce_min3A_285 : vector<4096xi32> to vector<4096x1xi32>
      %swap3A_287 = arith.constant 0 : index
      %swap3A_288 = arith.constant 0 : index
      %swap3A_289 = vector.load %arg3[%swap3A_287, %swap3A_288] : memref<4096x1xi32, #tpu.memory_space<vmem>>, vector<4096x1xi32>
      tpu.vector_store %arg3[%swap3A_287, %swap3A_288], %broadcast_in_dim3A_286 {strides = array<i32>} : memref<4096x1xi32, #tpu.memory_space<vmem>>, vector<4096x1xi32>,
    } else {
    }
    return
  }
  func.func @transform_0(%arg0: i32) -> (i32, i32) {
    %c0_i32 = arith.constant 0 : i32
    %c0_i32_0 = arith.constant 0 : i32
    %c0_i32_1 = arith.constant 0 : i32
    return %c0_i32, %c0_i32_0 : i32, i32
  }
  func.func @transform_1(%arg0: i32) -> (i32, i32) {
    %c0_i32 = arith.constant 0 : i32
    %c0_i32_0 = arith.constant 0 : i32
    return %c0_i32, %arg0 : i32, i32
  }
  func.func @transform_2(%arg0: i32) -> (i32, i32) {
    %c0_i32 = arith.constant 0 : i32
    %c0_i32_0 = arith.constant 0 : i32
    %c0_i32_1 = arith.constant 0 : i32
    return %c0_i32, %c0_i32_0 : i32, i32
  }
  func.func @transform_3(%arg0: i32) -> (i32, i32) {
    %c0_i32 = arith.constant 0 : i32
    %c0_i32_0 = arith.constant 0 : i32
    return %arg0, %c0_i32 : i32, i32
  }
}

</mosaic_0001>

<sc_bundles>
// kernel: kernel.4.cloned.1.call-start
scs
__scs_entry_jumppad:
0x0: {  	(pc) =	sbr.rel $0x88, $3  }
0x1: {  	(tag) =	ssettag $0x0;
	lr =	simm.s32 $0x1  }
0x2: {  	[smem:$0x3F9F] =	sst lr;
	_ =	strace $0xD0000000  }
0x3: {  	_ = 	snop  }
0x4: {  	_ = 	snop  }
0x5: {  	_ = 	snop  }
0x6: {  	_ = 	snop  }
0x7: {  	_ = 	snop  }
__scs_overlays_trampoline_lowered:
0x8: {  	[smem:$0x3FAE] =	sst s0  }
0x9: {  	[smem:$0x3FAF] =	sst s1  }
0xa: {  	[smem:$0x3FB0] =	sst s2  }
0xb: {  	[smem:$0x3FB1] =	sst s3  }
0xc: {  	[smem:$0x3FB2] =	sst s4  }
0xd: {  	[smem:$0x3FB3] =	sst s5  }
0xe: {  	[smem:$0x3FB4] =	sst s6  }
0xf: {  	[smem:$0x3FB5] =	sst s7  }
0x10: {  	[smem:$0x3FB6] =	sst s8  }
0x11: {  	[smem:$0x3FB7] =	sst s9;
	s0 =	simm.s32 @!p0 $0x0  }
0x12: {  	s1 =	sld [smem:$0x3F9D];
	s0 =	simm.s32 @p0 $0x1  }
0x13: {  	[smem:$0x3FB8] =	sst s0;
	s0 =	simm.s32 @!p1 $0x0  }
0x14: {  	s2 =	sld [smem:$0x3F9C];
	s0 =	simm.s32 @p1 $0x1  }
0x15: {  	[smem:$0x3FB9] =	sst s0;
	s0 =	simm.s32 @!p2 $0x0  }
0x16: {  	s3 =	sld [smem:$0x3FDB];
	s0 =	simm.s32 @p2 $0x1  }
0x17: {  	s4 =	simm.s32 $0x1BF5;
	[smem:$0x3FBB] =	sst s0  }
0x18: {  	s0 =	sld [smem:$0x3F9E];
	_ =	swait.ge [sflag:s4], $0x0  }
0x19: {  	s7 =	sld [smem:$0x3F9F]  }
0x1a: {  	s8 =	sadd.s32 $0xFFFFE003, lr  }
0x1b: {  	s9 =	sadd.s32 $0xFFFFFEF7, lr;
	s5 =	simm.s32 $0xFFFFFFFF;
	p2 =	slt.u32 s8, $0xFFFFF086  }
0x1c: {  	p1 =	slt.u32 s9, $0xF7A;
	s5 =	simm.s32 @!p2 $0x0  }
0x1d: {  	s5 =	simm.s32 @p1 $0x1;
	p0 =	seq.s32 s7, s2  }
0x1e: {  	s7 =	smul.u32 @!p0 $0xF7A, s2;
	p2 =	seq.s32 @!p0 s5, $0x0  }
0x1f: {  	s9 =	smul.u32 $0xF7A, s1;
	s8 =	simm.s32 @!p0 $0x1BF5;
	p2 =	por !p2, p0  }
0x20: {  	[sflag:s8] =	ssyncset.s32 @!p0 $0xFFFFF086;
	s6 =	sadd.s32 @!p0 s3, s7;
	s7 =	simm.s32 @!p0 $0x108  }
0x21: {  	s3 =	sadd.s32 s3, s9;
	s6 =	sadd.s32 @!p0 $0x88, s6;
	s7 =	simm.s32 @p2 $0x1082  }
0x22: {  	[simem:s7], [sflag:s8] =	dma.local @!p0 [hbm:s6], $0xF7A  }
0x23: {  	s9 =	sor.u32 $0xD0000000, s2;
	s6 =	simm.s32 $0x108;
	_ =	swait.ge @!p0 [sflag:s8], $0x0  }
0x24: {  	s3 =	sadd.s32 $0x88, s3;
	s6 =	simm.s32 @!p1 $0x1082;
	[sflag:s4] =	ssyncset.s32 $0xFFFFF086  }
0x25: {  	[simem:s6], [sflag:s4] =	dma.local [hbm:s3], $0xF7A  }
0x26: {  	[smem:$0x3F9F] =	sst s1;
	(tag) =	ssettag s2;
	_ =	strace s9  }
0x27: {  	s1 =	sld [smem:$0x3FAF]  }
0x28: {  	s2 =	sld [smem:$0x3FB0]  }
0x29: {  	s4 =	sld [smem:$0x3FB2]  }
0x2a: {  	p0 =	seq.s32 s5, $0x0;
	s5 =	sld [smem:$0x3FB3]  }
0x2b: {  	s6 =	sld [smem:$0x3FB4]  }
0x2c: {  	s7 =	sld [smem:$0x3FB5]  }
0x2d: {  	s3 =	simm.s32 $0x108;
	s8 =	sld [smem:$0x3FB6]  }
0x2e: {  	s3 =	simm.s32 @!p0 $0x1082;
	s9 =	sld [smem:$0x3FB7]  }
0x2f: {  	lr =	sadd.s32 s0, s3;
	s0 =	sld [smem:$0x3FAE]  }
0x30: {  	s3 =	sld [smem:$0x3FB1]  }
0x31: {  	[smem:$0x3FBA] =	sst s10  }
0x32: {  	s10 =	sld [smem:$0x3FB8];
	_ =	sdelay $0x3  }
0x33: {  	p0 =	seq.s32 s10, $0x1;
	s10 =	sld [smem:$0x3FBA];
	_ =	sdelay $0x3  }
0x34: {  	[smem:$0x3FBA] =	sst s10  }
0x35: {  	s10 =	sld [smem:$0x3FB9];
	_ =	sdelay $0x3  }
0x36: {  	p1 =	seq.s32 s10, $0x1;
	s10 =	sld [smem:$0x3FBA];
	_ =	sdelay $0x3  }
0x37: {  	[smem:$0x3FBA] =	sst s10  }
0x38: {  	s10 =	sld [smem:$0x3FBB]  }
0x39: {  	_ = 	snop;
	(pc) =	sbr.ind lr, $3  }
0x3a: {  	_ = 	snop  }
0x3b: {  	_ = 	snop  }
0x3c: {  	p2 =	seq.s32 s10, $0x1;
	s10 =	sld [smem:$0x3FBA]  }
0x3d: {  	_ =	shalt  }
0x3e: {  	_ =	shalt  }
0x3f: {  	_ =	shalt  }
0x40: {  	_ =	shalt  }
0x41: {  	_ =	shalt  }
0x42: {  	_ =	shalt  }
0x43: {  	_ =	shalt  }
0x44: {  	_ =	shalt  }
0x45: {  	_ =	shalt  }
0x46: {  	_ =	shalt  }
0x47: {  	_ =	shalt  }
0x48: {  	_ =	shalt  }
0x49: {  	_ =	shalt  }
0x4a: {  	_ =	shalt  }
0x4b: {  	_ =	shalt  }
0x4c: {  	_ =	shalt  }
0x4d: {  	_ =	shalt  }
0x4e: {  	_ =	shalt  }
0x4f: {  	_ =	shalt  }
0x50: {  	_ =	shalt  }
0x51: {  	_ =	shalt  }
0x52: {  	_ =	shalt  }
0x53: {  	_ =	shalt  }
0x54: {  	_ =	shalt  }
0x55: {  	_ =	shalt  }
0x56: {  	_ =	shalt  }
0x57: {  	_ =	shalt  }
0x58: {  	_ =	shalt  }
0x59: {  	_ =	shalt  }
0x5a: {  	_ =	shalt  }
0x5b: {  	_ =	shalt  }
0x5c: {  	_ =	shalt  }
0x5d: {  	_ =	shalt  }
0x5e: {  	_ =	shalt  }
0x5f: {  	_ =	shalt  }
0x60: {  	_ =	shalt  }
0x61: {  	_ =	shalt  }
0x62: {  	_ =	shalt  }
0x63: {  	_ =	shalt  }
0x64: {  	_ =	shalt  }
0x65: {  	_ =	shalt  }
0x66: {  	_ =	shalt  }
0x67: {  	_ =	shalt  }
0x68: {  	_ =	shalt  }
0x69: {  	_ =	shalt  }
0x6a: {  	_ =	shalt  }
0x6b: {  	_ =	shalt  }
0x6c: {  	_ =	shalt  }
0x6d: {  	_ =	shalt  }
0x6e: {  	_ =	shalt  }
0x6f: {  	_ =	shalt  }
0x70: {  	_ =	shalt  }
0x71: {  	_ =	shalt  }
0x72: {  	_ =	shalt  }
0x73: {  	_ =	shalt  }
0x74: {  	_ =	shalt  }
0x75: {  	_ =	shalt  }
0x76: {  	_ =	shalt  }
0x77: {  	_ =	shalt  }
0x78: {  	_ =	shalt  }
0x79: {  	_ =	shalt  }
0x7a: {  	_ =	shalt  }
0x7b: {  	_ =	shalt  }
0x7c: {  	_ =	shalt  }
0x7d: {  	_ =	shalt  }
0x7e: {  	_ =	shalt  }
0x7f: {  	_ =	shalt  }
0x80: {  	_ =	shalt  }
0x81: {  	_ =	shalt  }
0x82: {  	_ =	shalt  }
0x83: {  	_ =	shalt  }
0x84: {  	_ =	shalt  }
0x85: {  	_ =	shalt  }
0x86: {  	_ =	shalt  }
0x87: {  	_ =	shalt  }
.Lfunc_end0:
.L_simem_size_0:
called_computation_lowered:
.L_overlay_start_0:
0x88: {  	s2 =	sld [smem:$0x3FD9]  }
0x89: {  	s3 =	sld [smem:$0x3FFE];
	_ =	sdelay $0x1  }
0x8a: {  	s1 =	srdreg.scid  }
0x8b: {  	s0 =	sand.u32 $0x1, s1  }
0x8c: {  	s14 =	sshll.u32 s0, $0xA;
	s2 =	sadd.s32 s3, s2  }
0x8d: {  	s2 =	sadd.s32 s2, s14  }
0x8e: {  	[smem:$0x3FC6] =	sst s2  }
0x8f: {  	_ = 	snop  }
0x90: {  	s2 =	sld [smem:$0x3FD0];
	_ =	sdelay $0x2  }
0x91: {  	s15 =	simm.s32 $0xA;
	s4 =	simm.s32 $0x10  }
0x92: {  	[smem:s4], [sflag:s15] =	dma.local [hbm:s2], $0x1  }
0x93: {  	_ =	swait.eq [sflag:s15], $0x1  }
0x94: {  	[sflag:s15] =	ssyncset.done $0x0  }
0x95: {  	[sflag:s15] =	ssyncadd.s32 $0xFFFFFFFF  }
0x96: {  	s16 =	sld [smem:$0x12];
	(tm) =	ssettm $0x1  }
0x97: {  	s17 =	sld [smem:$0x3FFB];
	_ =	sdelay $0x3  }
0x98: {  	_ =	strace s17  }
0x99: {  	s3 =	sld [smem:$0x3FFC];
	_ =	sdelay $0x3  }
0x9a: {  	_ =	strace s3  }
0x9b: {  	s3 =	sld [smem:$0x3FFD];
	_ =	sdelay $0x3  }
0x9c: {  	_ =	strace s3  }
0x9d: {  	_ =	strace $0x8FFFFFFF  }
0x9e: {  	s18 =	sld [smem:$0x3FDB];
	_ =	sdelay $0x1  }
0x9f: {  	s19 =	simm.s32 $_scs_section_size  }
0xa0: {  	s5 =	simm.s32 $_size__tile_overlayer_lowered;
	s6 =	simm.s32 $_tile_overlayer_lowered  }
0xa1: {  	s22 =	simm.s32 $0x1BFF;
	s21 =	sshll.u32 s6, $0x1;
	s3 =	sadd.s32 s19, s18  }
0xa2: {  	s7 =	simm.s32 $0x0;
	s20 =	sshll.u32 s5, $0x1;
	s5 =	sadd.s32 s21, s3  }
0xa3: {  	[timem:s7], [sflag:s22] =	dma.local [hbm:s5], s20  }
0xa4: {  	_ =	swait.ge [sflag:s22], s20  }
0xa5: {  	s4 =	ssub.s32 $0x0, s20;
	[sflag:s22] =	ssyncset.done $0x0  }
0xa6: {  	[sflag:s22] =	ssyncadd.s32 s4;
	_ =	sdelay $0x1  }
0xa7: {  	s23 =	simm.s32 $0x1B8B  }
0xa8: {  	_ =	swait.ge [sflag:s23], $0x1  }
0xa9: {  	[sflag:s23] =	ssyncset.done $0x0  }
0xaa: {  	s25 =	simm.s32 $0x1B8E;
	s24 =	sld [smem:$0x3FFE];
	[sflag:s23] =	ssyncadd.s32 $0xFFFFFFFF  }
0xab: {  	s26 =	simm.s32 $execute0_lowered;
	[smem:$0x3FD2] =	sst s25  }
0xac: {  	s5 =	sshll.u32 s26, $0x1;
	_ =	strace $0x80000046;
	[dreg:$0x1] =	wrdreg $0xFFFFFFFF  }
0xad: {  	s28 =	simm.s32 $_size_execute0_lowered;
	s3 =	sadd.s32 s3, s5;
	[dreg:$0x0] =	wrdreg $0x0  }
0xae: {  	s5 =	sshll.u32 s28, $0x1;
	[dreg:$0x2] =	wrdreg s3  }
0xaf: {  	[dreg:$0x3] =	wrdreg s5  }
0xb0: {  	[dreg:$0x4] =	wrdreg $0xC0  }
0xb1: {  	_ =	task [dreg:s7], $0x5FFFF  }
0xb2: {  	[dreg:$0x1] =	wrdreg $0xFFFFFFFF  }
0xb3: {  	[dreg:$0x0] =	wrdreg $0x60  }
0xb4: {  	[dreg:$0x2] =	wrdreg s24  }
0xb5: {  	[dreg:$0x3] =	wrdreg s16  }
0xb6: {  	[dreg:$0x4] =	wrdreg $0x9  }
0xb7: {  	_ =	task.clear_ibuf [dreg:s7], $0x5FFFF;
	_ =	strace $0x90000046  }
0xb8: {  	s29 =	simm.s32 $0x9;
	_ =	strace $0x80000048  }
0xb9: {  	_ =	swait.ge [sflag:s29], $0x1  }
0xba: {  	[sflag:s29] =	ssyncadd.s32 $0xFFFFFFFF  }
0xbb: {  	_ =	strace $0x90000048  }
0xbc: {  	_ =	sfence  }
0xbd: {  	s30 =	sld [smem:$0x0];
	_ =	sdelay $0x2  }
0xbe: {  	s31 =	sshll.u32 s1, $0xD;
	s1 =	sshrl.u32 s1, $0x2  }
0xbf: {  	s3 =	sand.u32 $0x4000, s31;
	s1 =	sadd.s32 s1, s30  }
0xc0: {  	s0 =	sor.u32 s3, s0;
	s1 =	sshll.u32 s1, $0x11  }
0xc1: {  	s0 =	sor.u32 s1, s0  }
0xc2: {  	s0 =	sadd.s32 $0x8F2B, s0  }
0xc3: {  	[sflag:s0] =	ssyncadd.remote.s32 $0x1  }
0xc4: {  	_ =	sfence.sel $0xFFFF  }
0xc5: {  	[dreg:$0x0] =	wrdreg $0xFFFFFFFF;
	(pc) =	sbr.abs _section_cstart, $3  }
0xc6: {  	[dreg:$0x1] =	wrdreg $0xFFFFFFFF  }
0xc7: {  	_ =	task.clear_ibuf [dreg:s7], $0x2FFFF;
	_ =	strace $0x9FFFFFFF  }
0xc8: {  	(tm) =	ssettm $0x7FFFFFFF  }
0xc9: {  	_ =	shalt  }
tec
execute0_lowered:
.L_overlay_start_1:
0x0: {  	(tag) =	ssettag $0x1  }
0x1: {  	s1 =	srdreg.scid  }
0x2: {  	s8 =	rddreg [dreg:$0x0];
	s0 =	stileid.u32  }
0x3: {  	s3 =	rddreg [dreg:$0x1];
	s2 =	simm.s32 $0x0;
	s6 =	sand.u32 $0x1, s1  }
0x4: {  	s4 =	sshll.u32 s0, $0x8;
	s1 =	rddreg [dreg:$0x2];
	s5 =	sshll.u32 s6, $0x7  }
0x5: {  	s7 =	simm.s32 $0x1;
	[smem:$0x7FF] =	sst s2;
	s9 =	sor.u32 s5, s4  }
0x6: {  	_ =	strace $0x80000047;
	s10 =	ssub.s32 $0x2, s6;
	s4 =	sshrl.u32 s9, $0x3  }
0x7: {  	s6 =	simm.s32 $0x80;
	s4 =	sadd.s32 s3, s4;
	s3 =	simm.s32 $0x2  }
0x8: {  	[tilespmem:s2], [sflag:$0x2] =	stream.linear.gather [hbm4b:s4+s2], $0x80, $0x38;
	[tilespmem:$0x4080] =	vst v63  }
0x9: {  	s5 =	sadd.s32 $0x600, s8;
	s11 =	sshrl.u32 s10, $0x1;
	_ =	swait.ge [sflag:s3], $0x80  }
0xa: {  	s9 =	sshll.u32 s9, $0x4;
	s31 =	ssub.s32 s10, s11;
	[sflag:s3] =	ssyncset.done $0x0  }
0xb: {  	s8 =	sadd.s32 s9, s8;
	s9 =	smax.u32 s31, $0x1;
	[sflag:s3] =	ssyncadd.s32 $0xFFFFFF80  }
0xc: {  	[tilespmem:s6], [sflag:$0x1] =	stream.indirect.gather [hbm4b:s5+s6], $0x80, s2, s6, $0xb8;
	[tilespmem:$0x4080] =	vst v63  }
0xd: {  	p0 =	sne.s32 s9, $0x1;
	_ =	swait.ge [sflag:s7], $0x4000  }
.Ltmp0:
0xe: {  	[sflag:s7] =	ssyncset.done $0x0;
	(pc) =	sbr.rel @!p0 .LBB2_2-.Ltmp0, $4  }
0xf: {  	s8 =	sadd.s32 $0x40600, s8;
	[sflag:s7] =	ssyncadd.s32 $0xFFFFC000  }
0x10: {  	[hbm4b:s8+s2] =	stream.linear.scatter [tilespmem:s6], [sflag:$0x2], $0x4000, $0x38;
	[tilespmem:$0x4080] =	vst v63  }
0x11: {  	_ =	swait.ge [sflag:s3], $0x4000  }
0x12: {  	s9 =	sadd.s32 $0xFFFFFFFF, s9;
	[sflag:s3] =	ssyncset.done $0x0  }
.LBB2_1:
0x13: {  	p0 =	sne.s32 s9, $0x1;
	s9 =	sadd.s32 $0xFFFFFFFF, s9;
	[sflag:s3] =	ssyncadd.s32 $0xFFFFC000  }
0x14: {  	[tilespmem:s2], [sflag:$0x2] =	stream.linear.gather [hbm4b:s4+s2], $0x80, $0x38;
	[tilespmem:$0x4080] =	vst v63  }
0x15: {  	_ =	swait.ge [sflag:s3], $0x80  }
0x16: {  	[sflag:s3] =	ssyncset.done $0x0  }
0x17: {  	[sflag:s3] =	ssyncadd.s32 $0xFFFFFF80  }
0x18: {  	[tilespmem:s6], [sflag:$0x1] =	stream.indirect.gather [hbm4b:s5+s6], $0x80, s2, s6, $0xb8;
	[tilespmem:$0x4080] =	vst v63  }
0x19: {  	_ =	swait.ge [sflag:s7], $0x4000  }
.Ltmp1:
0x1a: {  	[sflag:s7] =	ssyncset.done $0x0;
	(pc) =	sbr.rel @p0 .LBB2_1-.Ltmp1, $4  }
0x1b: {  	[sflag:s7] =	ssyncadd.s32 $0xFFFFC000  }
0x1c: {  	[hbm4b:s8+s2] =	stream.linear.scatter [tilespmem:s6], [sflag:$0x2], $0x4000, $0x38;
	[tilespmem:$0x4080] =	vst v63  }
0x1d: {  	_ =	swait.ge [sflag:s3], $0x4000  }
0x1e: {  	[sflag:s3] =	ssyncset.done $0x0  }
.LBB2_2:
0x1f: {  	[sflag:s3] =	ssyncadd.s32 $0xFFFFC000  }
0x20: {  	_ =	sfence.sel $0x180000  }
0x21: {  	[bflag:$0x0] =	sbarrier.arrive $0xFFFF  }
0x22: {  	p0 =	sne.s32 s0, $0x0;
	_ =	strace $0x90000047  }
0x23: {  	s0 =	sadd.s32 @!p0 $0x100000, s1;
	[bflag:$0x2] =	sbarrier.arrive $0xFFFF  }
0x24: {  	[sflag:s0] =	ssyncadd.tile.s32 @!p0 $0x1;
	_ =	shalt  }
.Lfunc_end2:
_tile_overlayer_lowered:
.L_overlay_start_2:
0x25: {  	(tag) =	ssettag $0x2  }
0x26: {  	s0 =	rddreg [dreg:$0x0];
	s2 =	stileid.u32  }
0x27: {  	s1 =	rddreg [dreg:$0x1];
	p0 =	sne.s32 s2, $0x0  }
0x28: {  	s3 =	rddreg [dreg:$0x2];
	[bflag:$0x3] =	sbarrier.arrive $0xFFFF;
	s2 =	simm.s32 @!p0 $0x1C02  }
0x29: {  	[timem:s3], [sflag:s2] =	dma.local @!p0 [hbm:s0], s1  }
0x2a: {  	s0 =	simm.s32 @!p0 $0x2  }
0x2b: {  	_ =	swait.ge @!p0 [sflag:s0], s1  }
0x2c: {  	s1 =	ssub.s32 @!p0 $0x0, s1;
	[sflag:s0] =	ssyncset.done @!p0 $0x0  }
0x2d: {  	[sflag:s0] =	ssyncadd.s32 @!p0 s1  }
0x2e: {  	[bflag:$0x3] =	sbarrier.arrive $0xFFFF  }
0x2f: {  	_ =	shalt  }

</sc_bundles>
